<compile_context>
chip_gen: v7x
topology: tpu7x:2x2x1
jax: 0.10.2.dev20260603
libtpu: 0.0.44.dev20260713+nightly
codegen_flags: <defaults>
</compile_context>

<pallas_src>
import jax
import jax.numpy as jnp
from jax.experimental import pallas as pl
from jax.experimental.pallas import tpu as pltpu

_DIM = 4096
_WIDTH = 4
_BATCH = 128
_SEQ = 4
_M = 2048
_ROW = (_WIDTH - 1) * _DIM
_XROW = _SEQ * _DIM
_NCH = 16
_CH = _M // _NCH


def _copy_scatter_body(idx_ref, cs_ref, x_ref, out_ref,
                       winner_ref, copy_sem, row_sem):
    for c in range(_NCH):
        pltpu.make_async_copy(
            cs_ref.at[pl.ds(c * _CH, _CH)],
            out_ref.at[pl.ds(c * _CH, _CH)],
            copy_sem.at[c],
        ).start()

    def scat(b, carry):
        winner_ref[idx_ref[b]] = b
        return carry
    jax.lax.fori_loop(0, _BATCH, scat, 0)

    for c in range(_NCH):
        pltpu.make_async_copy(
            cs_ref.at[pl.ds(c * _CH, _CH)],
            out_ref.at[pl.ds(c * _CH, _CH)],
            copy_sem.at[c],
        ).wait()

    def fire(b, carry):
        ib = idx_ref[b]

        @pl.when(winner_ref[ib] == b)
        def _():
            pltpu.make_async_copy(
                x_ref.at[b, pl.ds(_DIM, _ROW)],
                out_ref.at[ib],
                row_sem,
            ).start()
        return carry
    jax.lax.fori_loop(0, _BATCH, fire, 0)

    def drain(b, carry):
        ib = idx_ref[b]

        @pl.when(winner_ref[ib] == b)
        def _():
            pltpu.make_async_copy(
                x_ref.at[b, pl.ds(_DIM, _ROW)],
                out_ref.at[ib],
                row_sem,
            ).wait()
        return carry
    jax.lax.fori_loop(0, _BATCH, drain, 0)


def _conv_body(idx_ref, cs_ref, x_ref, w_ref, b_ref, out_ref):
    st = cs_ref[0]
    xb = x_ref[0]
    xn = jnp.concatenate([st, xb], axis=0)
    acc = jnp.broadcast_to(b_ref[0][None, :], (_SEQ, _DIM))
    for k in range(_WIDTH):
        acc = acc + xn[k:k + _SEQ, :] * w_ref[k][None, :]
    out_ref[0] = acc * jax.nn.sigmoid(acc)


def kernel(x, conv_state, conv_state_indices, weight, bias):
    cs2d = conv_state.reshape(_M, _ROW)
    x2d = x.reshape(_BATCH, _XROW)

    state_out = pl.pallas_call(
        _copy_scatter_body,
        in_specs=[
            pl.BlockSpec(memory_space=pltpu.SMEM),
            pl.BlockSpec(memory_space=pltpu.MemorySpace.HBM),
            pl.BlockSpec(memory_space=pltpu.MemorySpace.HBM),
        ],
        out_specs=pl.BlockSpec(memory_space=pltpu.MemorySpace.HBM),
        out_shape=jax.ShapeDtypeStruct((_M, _ROW), jnp.float32),
        scratch_shapes=[
            pltpu.SMEM((_M,), jnp.int32),
            pltpu.SemaphoreType.DMA((_NCH,)),
            pltpu.SemaphoreType.DMA,
        ],
    )(conv_state_indices, cs2d, x2d)

    bias2d = bias.reshape(1, _DIM)
    out = pl.pallas_call(
        _conv_body,
        grid_spec=pltpu.PrefetchScalarGridSpec(
            num_scalar_prefetch=1,
            grid=(_BATCH,),
            in_specs=[
                pl.BlockSpec((1, _WIDTH - 1, _DIM),
                             lambda i, idx: (idx[i], 0, 0)),
                pl.BlockSpec((1, _SEQ, _DIM), lambda i, idx: (i, 0, 0)),
                pl.BlockSpec((_WIDTH, _DIM), lambda i, idx: (0, 0)),
                pl.BlockSpec((1, _DIM), lambda i, idx: (0, 0)),
            ],
            out_specs=pl.BlockSpec((1, _SEQ, _DIM), lambda i, idx: (i, 0, 0)),
        ),
        out_shape=jax.ShapeDtypeStruct((_BATCH, _SEQ, _DIM), jnp.float32),
        compiler_params=pltpu.CompilerParams(
            dimension_semantics=("arbitrary",),
        ),
    )(conv_state_indices, conv_state, x, weight, bias2d)

    return out, state_out.reshape(_M, _WIDTH - 1, _DIM)

# --- scband reference (transcript-rebuilt; emitter-appended) ---
"""Pipeline reference for scband-causal-conv1d-update-model-eager-8014408974840 (READ-ONLY COPY).

The authoritative reference and input builder live on the scoring server;
editing this copy changes nothing except your own understanding.
"""

import jax, jax.numpy as jnp
import numpy as np

DIM = 4096
WIDTH = 4
BATCH = 128
SEQ = 4
M = 2048


def setup_inputs(seed: int = 0) -> dict:
    key = jax.random.key(seed)
    k1, k2, k3, k4, k5 = jax.random.split(key, 5)
    x = jax.random.normal(k1, (BATCH, SEQ, DIM), dtype=jnp.float32)
    conv_state = jax.random.normal(k2, (M, WIDTH - 1, DIM), dtype=jnp.float32)
    conv_state_indices = jax.random.randint(k3, (BATCH,), 0, M, dtype=jnp.int32)
    weight = jax.random.normal(k4, (WIDTH, DIM), dtype=jnp.float32)
    bias = jax.random.normal(k5, (DIM,), dtype=jnp.float32)
    return {
        "x": x,
        "conv_state": conv_state,
        "conv_state_indices": conv_state_indices,
        "weight": weight,
        "bias": bias,
    }


def reference(x, conv_state, conv_state_indices, weight, bias):
    batch, seq_len, dim = x.shape
    width = weight.shape[0]
    # x: [B, S, D] -> [B, D, S]
    x_internal = jnp.transpose(x, (0, 2, 1))
    # gather per-request state rows: [B, width-1, D] -> [B, D, width-1]
    state_gathered = jnp.take(conv_state, conv_state_indices, axis=0)
    state_internal = jnp.transpose(state_gathered, (0, 2, 1))
    # concat along time: [B, D, width-1 + S]
    x_new = jnp.concatenate([state_internal, x_internal], axis=-1)
    # depthwise (groups=dim) causal conv1d, valid padding; output length == seq_len
    out = jnp.broadcast_to(bias[None, :, None], (batch, dim, seq_len)).astype(jnp.float32)
    for k in range(width):
        out = out + x_new[:, :, k:k + seq_len] * weight[k][None, :, None]
    # scatter-overwrite updated state back into the memory
    new_state = x_new[:, :, -(width - 1):]
    conv_state_updated = conv_state.at[conv_state_indices].set(
        jnp.transpose(new_state, (0, 2, 1))
    )
    out = jax.nn.silu(out)
    return (jnp.transpose(out, (0, 2, 1)), conv_state_updated)

if __name__ == "__main__":
    import jax
    _d = setup_inputs()
    print(jax.jit(kernel)(*tuple(_d.values())))

</pallas_src>

<mosaic_0001>
module attributes {stable_mosaic.version = 14 : i64} {
  func.func @_copy_scatter_body(%arg0: memref<128xi32, #tpu.memory_space<smem>>, %arg1: memref<2048x12288xf32, #tpu.memory_space<hbm>>, %arg2: memref<128x16384xf32, #tpu.memory_space<hbm>>, %arg3: memref<2048x12288xf32, #tpu.memory_space<hbm>>, %arg4: memref<2048xi32, #tpu.memory_space<smem>>, %arg5: memref<16x!tpu.dma_semaphore, #tpu.memory_space<semaphore_mem>>, %arg6: memref<!tpu.dma_semaphore, #tpu.memory_space<semaphore_mem>>) attributes {dimension_semantics = [], scalar_prefetch = 0 : i64, scratch_operands = 3 : i64, tpu.core_type = #tpu.core_type<tc>} {
    %dma_start3A = arith.constant 0 : i32
    %dma_start3A_0 = tpu.memref_slice %arg5[%dma_start3A] : memref<16x!tpu.dma_semaphore, #tpu.memory_space<semaphore_mem>> -> memref<1x!tpu.dma_semaphore, #tpu.memory_space<semaphore_mem>>
    %dma_start3A_1 = tpu.memref_squeeze %dma_start3A_0 : memref<1x!tpu.dma_semaphore, #tpu.memory_space<semaphore_mem>> -> memref<!tpu.dma_semaphore, #tpu.memory_space<semaphore_mem>>
    %dma_start3A_2 = arith.constant 0 : i32
    %dma_start3A_3 = arith.constant 0 : i32
    %dma_start3A_4 = tpu.memref_slice %arg3[%dma_start3A_2, %dma_start3A_3] : memref<2048x12288xf32, #tpu.memory_space<hbm>> -> memref<128x12288xf32, #tpu.memory_space<hbm>>
    %dma_start3A_5 = arith.constant 0 : i32
    %dma_start3A_6 = arith.constant 0 : i32
    %dma_start3A_7 = tpu.memref_slice %arg1[%dma_start3A_5, %dma_start3A_6] : memref<2048x12288xf32, #tpu.memory_space<hbm>> -> memref<128x12288xf32, #tpu.memory_space<hbm>>
    tpu.enqueue_dma source(%dma_start3A_7 : memref<128x12288xf32, #tpu.memory_space<hbm>>) target(%dma_start3A_4 : memref<128x12288xf32, #tpu.memory_space<hbm>>) target_semaphore(%dma_start3A_1 : memref<!tpu.dma_semaphore, #tpu.memory_space<semaphore_mem>>)
    %dma_start3A_8 = arith.constant 1 : i32
    %dma_start3A_9 = tpu.memref_slice %arg5[%dma_start3A_8] : memref<16x!tpu.dma_semaphore, #tpu.memory_space<semaphore_mem>> -> memref<1x!tpu.dma_semaphore, #tpu.memory_space<semaphore_mem>>
    %dma_start3A_10 = tpu.memref_squeeze %dma_start3A_9 : memref<1x!tpu.dma_semaphore, #tpu.memory_space<semaphore_mem>> -> memref<!tpu.dma_semaphore, #tpu.memory_space<semaphore_mem>>
    %dma_start3A_11 = arith.constant 128 : i32
    %dma_start3A_12 = arith.constant 0 : i32
    %dma_start3A_13 = tpu.memref_slice %arg3[%dma_start3A_11, %dma_start3A_12] : memref<2048x12288xf32, #tpu.memory_space<hbm>> -> memref<128x12288xf32, #tpu.memory_space<hbm>>
    %dma_start3A_14 = arith.constant 128 : i32
    %dma_start3A_15 = arith.constant 0 : i32
    %dma_start3A_16 = tpu.memref_slice %arg1[%dma_start3A_14, %dma_start3A_15] : memref<2048x12288xf32, #tpu.memory_space<hbm>> -> memref<128x12288xf32, #tpu.memory_space<hbm>>
    tpu.enqueue_dma source(%dma_start3A_16 : memref<128x12288xf32, #tpu.memory_space<hbm>>) target(%dma_start3A_13 : memref<128x12288xf32, #tpu.memory_space<hbm>>) target_semaphore(%dma_start3A_10 : memref<!tpu.dma_semaphore, #tpu.memory_space<semaphore_mem>>)
    %dma_start3A_17 = arith.constant 2 : i32
    %dma_start3A_18 = tpu.memref_slice %arg5[%dma_start3A_17] : memref<16x!tpu.dma_semaphore, #tpu.memory_space<semaphore_mem>> -> memref<1x!tpu.dma_semaphore, #tpu.memory_space<semaphore_mem>>
    %dma_start3A_19 = tpu.memref_squeeze %dma_start3A_18 : memref<1x!tpu.dma_semaphore, #tpu.memory_space<semaphore_mem>> -> memref<!tpu.dma_semaphore, #tpu.memory_space<semaphore_mem>>
    %dma_start3A_20 = arith.constant 256 : i32
    %dma_start3A_21 = arith.constant 0 : i32
    %dma_start3A_22 = tpu.memref_slice %arg3[%dma_start3A_20, %dma_start3A_21] : memref<2048x12288xf32, #tpu.memory_space<hbm>> -> memref<128x12288xf32, #tpu.memory_space<hbm>>
    %dma_start3A_23 = arith.constant 256 : i32
    %dma_start3A_24 = arith.constant 0 : i32
    %dma_start3A_25 = tpu.memref_slice %arg1[%dma_start3A_23, %dma_start3A_24] : memref<2048x12288xf32, #tpu.memory_space<hbm>> -> memref<128x12288xf32, #tpu.memory_space<hbm>>
    tpu.enqueue_dma source(%dma_start3A_25 : memref<128x12288xf32, #tpu.memory_space<hbm>>) target(%dma_start3A_22 : memref<128x12288xf32, #tpu.memory_space<hbm>>) target_semaphore(%dma_start3A_19 : memref<!tpu.dma_semaphore, #tpu.memory_space<semaphore_mem>>)
    %dma_start3A_26 = arith.constant 3 : i32
    %dma_start3A_27 = tpu.memref_slice %arg5[%dma_start3A_26] : memref<16x!tpu.dma_semaphore, #tpu.memory_space<semaphore_mem>> -> memref<1x!tpu.dma_semaphore, #tpu.memory_space<semaphore_mem>>
    %dma_start3A_28 = tpu.memref_squeeze %dma_start3A_27 : memref<1x!tpu.dma_semaphore, #tpu.memory_space<semaphore_mem>> -> memref<!tpu.dma_semaphore, #tpu.memory_space<semaphore_mem>>
    %dma_start3A_29 = arith.constant 384 : i32
    %dma_start3A_30 = arith.constant 0 : i32
    %dma_start3A_31 = tpu.memref_slice %arg3[%dma_start3A_29, %dma_start3A_30] : memref<2048x12288xf32, #tpu.memory_space<hbm>> -> memref<128x12288xf32, #tpu.memory_space<hbm>>
    %dma_start3A_32 = arith.constant 384 : i32
    %dma_start3A_33 = arith.constant 0 : i32
    %dma_start3A_34 = tpu.memref_slice %arg1[%dma_start3A_32, %dma_start3A_33] : memref<2048x12288xf32, #tpu.memory_space<hbm>> -> memref<128x12288xf32, #tpu.memory_space<hbm>>
    tpu.enqueue_dma source(%dma_start3A_34 : memref<128x12288xf32, #tpu.memory_space<hbm>>) target(%dma_start3A_31 : memref<128x12288xf32, #tpu.memory_space<hbm>>) target_semaphore(%dma_start3A_28 : memref<!tpu.dma_semaphore, #tpu.memory_space<semaphore_mem>>)
    %dma_start3A_35 = arith.constant 4 : i32
    %dma_start3A_36 = tpu.memref_slice %arg5[%dma_start3A_35] : memref<16x!tpu.dma_semaphore, #tpu.memory_space<semaphore_mem>> -> memref<1x!tpu.dma_semaphore, #tpu.memory_space<semaphore_mem>>
    %dma_start3A_37 = tpu.memref_squeeze %dma_start3A_36 : memref<1x!tpu.dma_semaphore, #tpu.memory_space<semaphore_mem>> -> memref<!tpu.dma_semaphore, #tpu.memory_space<semaphore_mem>>
    %dma_start3A_38 = arith.constant 512 : i32
    %dma_start3A_39 = arith.constant 0 : i32
    %dma_start3A_40 = tpu.memref_slice %arg3[%dma_start3A_38, %dma_start3A_39] : memref<2048x12288xf32, #tpu.memory_space<hbm>> -> memref<128x12288xf32, #tpu.memory_space<hbm>>
    %dma_start3A_41 = arith.constant 512 : i32
    %dma_start3A_42 = arith.constant 0 : i32
    %dma_start3A_43 = tpu.memref_slice %arg1[%dma_start3A_41, %dma_start3A_42] : memref<2048x12288xf32, #tpu.memory_space<hbm>> -> memref<128x12288xf32, #tpu.memory_space<hbm>>
    tpu.enqueue_dma source(%dma_start3A_43 : memref<128x12288xf32, #tpu.memory_space<hbm>>) target(%dma_start3A_40 : memref<128x12288xf32, #tpu.memory_space<hbm>>) target_semaphore(%dma_start3A_37 : memref<!tpu.dma_semaphore, #tpu.memory_space<semaphore_mem>>)
    %dma_start3A_44 = arith.constant 5 : i32
    %dma_start3A_45 = tpu.memref_slice %arg5[%dma_start3A_44] : memref<16x!tpu.dma_semaphore, #tpu.memory_space<semaphore_mem>> -> memref<1x!tpu.dma_semaphore, #tpu.memory_space<semaphore_mem>>
    %dma_start3A_46 = tpu.memref_squeeze %dma_start3A_45 : memref<1x!tpu.dma_semaphore, #tpu.memory_space<semaphore_mem>> -> memref<!tpu.dma_semaphore, #tpu.memory_space<semaphore_mem>>
    %dma_start3A_47 = arith.constant 640 : i32
    %dma_start3A_48 = arith.constant 0 : i32
    %dma_start3A_49 = tpu.memref_slice %arg3[%dma_start3A_47, %dma_start3A_48] : memref<2048x12288xf32, #tpu.memory_space<hbm>> -> memref<128x12288xf32, #tpu.memory_space<hbm>>
    %dma_start3A_50 = arith.constant 640 : i32
    %dma_start3A_51 = arith.constant 0 : i32
    %dma_start3A_52 = tpu.memref_slice %arg1[%dma_start3A_50, %dma_start3A_51] : memref<2048x12288xf32, #tpu.memory_space<hbm>> -> memref<128x12288xf32, #tpu.memory_space<hbm>>
    tpu.enqueue_dma source(%dma_start3A_52 : memref<128x12288xf32, #tpu.memory_space<hbm>>) target(%dma_start3A_49 : memref<128x12288xf32, #tpu.memory_space<hbm>>) target_semaphore(%dma_start3A_46 : memref<!tpu.dma_semaphore, #tpu.memory_space<semaphore_mem>>)
    %dma_start3A_53 = arith.constant 6 : i32
    %dma_start3A_54 = tpu.memref_slice %arg5[%dma_start3A_53] : memref<16x!tpu.dma_semaphore, #tpu.memory_space<semaphore_mem>> -> memref<1x!tpu.dma_semaphore, #tpu.memory_space<semaphore_mem>>
    %dma_start3A_55 = tpu.memref_squeeze %dma_start3A_54 : memref<1x!tpu.dma_semaphore, #tpu.memory_space<semaphore_mem>> -> memref<!tpu.dma_semaphore, #tpu.memory_space<semaphore_mem>>
    %dma_start3A_56 = arith.constant 768 : i32
    %dma_start3A_57 = arith.constant 0 : i32
    %dma_start3A_58 = tpu.memref_slice %arg3[%dma_start3A_56, %dma_start3A_57] : memref<2048x12288xf32, #tpu.memory_space<hbm>> -> memref<128x12288xf32, #tpu.memory_space<hbm>>
    %dma_start3A_59 = arith.constant 768 : i32
    %dma_start3A_60 = arith.constant 0 : i32
    %dma_start3A_61 = tpu.memref_slice %arg1[%dma_start3A_59, %dma_start3A_60] : memref<2048x12288xf32, #tpu.memory_space<hbm>> -> memref<128x12288xf32, #tpu.memory_space<hbm>>
    tpu.enqueue_dma source(%dma_start3A_61 : memref<128x12288xf32, #tpu.memory_space<hbm>>) target(%dma_start3A_58 : memref<128x12288xf32, #tpu.memory_space<hbm>>) target_semaphore(%dma_start3A_55 : memref<!tpu.dma_semaphore, #tpu.memory_space<semaphore_mem>>)
    %dma_start3A_62 = arith.constant 7 : i32
    %dma_start3A_63 = tpu.memref_slice %arg5[%dma_start3A_62] : memref<16x!tpu.dma_semaphore, #tpu.memory_space<semaphore_mem>> -> memref<1x!tpu.dma_semaphore, #tpu.memory_space<semaphore_mem>>
    %dma_start3A_64 = tpu.memref_squeeze %dma_start3A_63 : memref<1x!tpu.dma_semaphore, #tpu.memory_space<semaphore_mem>> -> memref<!tpu.dma_semaphore, #tpu.memory_space<semaphore_mem>>
    %dma_start3A_65 = arith.constant 896 : i32
    %dma_start3A_66 = arith.constant 0 : i32
    %dma_start3A_67 = tpu.memref_slice %arg3[%dma_start3A_65, %dma_start3A_66] : memref<2048x12288xf32, #tpu.memory_space<hbm>> -> memref<128x12288xf32, #tpu.memory_space<hbm>>
    %dma_start3A_68 = arith.constant 896 : i32
    %dma_start3A_69 = arith.constant 0 : i32
    %dma_start3A_70 = tpu.memref_slice %arg1[%dma_start3A_68, %dma_start3A_69] : memref<2048x12288xf32, #tpu.memory_space<hbm>> -> memref<128x12288xf32, #tpu.memory_space<hbm>>
    tpu.enqueue_dma source(%dma_start3A_70 : memref<128x12288xf32, #tpu.memory_space<hbm>>) target(%dma_start3A_67 : memref<128x12288xf32, #tpu.memory_space<hbm>>) target_semaphore(%dma_start3A_64 : memref<!tpu.dma_semaphore, #tpu.memory_space<semaphore_mem>>)
    %dma_start3A_71 = arith.constant 8 : i32
    %dma_start3A_72 = tpu.memref_slice %arg5[%dma_start3A_71] : memref<16x!tpu.dma_semaphore, #tpu.memory_space<semaphore_mem>> -> memref<1x!tpu.dma_semaphore, #tpu.memory_space<semaphore_mem>>
    %dma_start3A_73 = tpu.memref_squeeze %dma_start3A_72 : memref<1x!tpu.dma_semaphore, #tpu.memory_space<semaphore_mem>> -> memref<!tpu.dma_semaphore, #tpu.memory_space<semaphore_mem>>
    %dma_start3A_74 = arith.constant 1024 : i32
    %dma_start3A_75 = arith.constant 0 : i32
    %dma_start3A_76 = tpu.memref_slice %arg3[%dma_start3A_74, %dma_start3A_75] : memref<2048x12288xf32, #tpu.memory_space<hbm>> -> memref<128x12288xf32, #tpu.memory_space<hbm>>
    %dma_start3A_77 = arith.constant 1024 : i32
    %dma_start3A_78 = arith.constant 0 : i32
    %dma_start3A_79 = tpu.memref_slice %arg1[%dma_start3A_77, %dma_start3A_78] : memref<2048x12288xf32, #tpu.memory_space<hbm>> -> memref<128x12288xf32, #tpu.memory_space<hbm>>
    tpu.enqueue_dma source(%dma_start3A_79 : memref<128x12288xf32, #tpu.memory_space<hbm>>) target(%dma_start3A_76 : memref<128x12288xf32, #tpu.memory_space<hbm>>) target_semaphore(%dma_start3A_73 : memref<!tpu.dma_semaphore, #tpu.memory_space<semaphore_mem>>)
    %dma_start3A_80 = arith.constant 9 : i32
    %dma_start3A_81 = tpu.memref_slice %arg5[%dma_start3A_80] : memref<16x!tpu.dma_semaphore, #tpu.memory_space<semaphore_mem>> -> memref<1x!tpu.dma_semaphore, #tpu.memory_space<semaphore_mem>>
    %dma_start3A_82 = tpu.memref_squeeze %dma_start3A_81 : memref<1x!tpu.dma_semaphore, #tpu.memory_space<semaphore_mem>> -> memref<!tpu.dma_semaphore, #tpu.memory_space<semaphore_mem>>
    %dma_start3A_83 = arith.constant 1152 : i32
    %dma_start3A_84 = arith.constant 0 : i32
    %dma_start3A_85 = tpu.memref_slice %arg3[%dma_start3A_83, %dma_start3A_84] : memref<2048x12288xf32, #tpu.memory_space<hbm>> -> memref<128x12288xf32, #tpu.memory_space<hbm>>
    %dma_start3A_86 = arith.constant 1152 : i32
    %dma_start3A_87 = arith.constant 0 : i32
    %dma_start3A_88 = tpu.memref_slice %arg1[%dma_start3A_86, %dma_start3A_87] : memref<2048x12288xf32, #tpu.memory_space<hbm>> -> memref<128x12288xf32, #tpu.memory_space<hbm>>
    tpu.enqueue_dma source(%dma_start3A_88 : memref<128x12288xf32, #tpu.memory_space<hbm>>) target(%dma_start3A_85 : memref<128x12288xf32, #tpu.memory_space<hbm>>) target_semaphore(%dma_start3A_82 : memref<!tpu.dma_semaphore, #tpu.memory_space<semaphore_mem>>)
    %dma_start3A_89 = arith.constant 10 : i32
    %dma_start3A_90 = tpu.memref_slice %arg5[%dma_start3A_89] : memref<16x!tpu.dma_semaphore, #tpu.memory_space<semaphore_mem>> -> memref<1x!tpu.dma_semaphore, #tpu.memory_space<semaphore_mem>>
    %dma_start3A_91 = tpu.memref_squeeze %dma_start3A_90 : memref<1x!tpu.dma_semaphore, #tpu.memory_space<semaphore_mem>> -> memref<!tpu.dma_semaphore, #tpu.memory_space<semaphore_mem>>
    %dma_start3A_92 = arith.constant 1280 : i32
    %dma_start3A_93 = arith.constant 0 : i32
    %dma_start3A_94 = tpu.memref_slice %arg3[%dma_start3A_92, %dma_start3A_93] : memref<2048x12288xf32, #tpu.memory_space<hbm>> -> memref<128x12288xf32, #tpu.memory_space<hbm>>
    %dma_start3A_95 = arith.constant 1280 : i32
    %dma_start3A_96 = arith.constant 0 : i32
    %dma_start3A_97 = tpu.memref_slice %arg1[%dma_start3A_95, %dma_start3A_96] : memref<2048x12288xf32, #tpu.memory_space<hbm>> -> memref<128x12288xf32, #tpu.memory_space<hbm>>
    tpu.enqueue_dma source(%dma_start3A_97 : memref<128x12288xf32, #tpu.memory_space<hbm>>) target(%dma_start3A_94 : memref<128x12288xf32, #tpu.memory_space<hbm>>) target_semaphore(%dma_start3A_91 : memref<!tpu.dma_semaphore, #tpu.memory_space<semaphore_mem>>)
    %dma_start3A_98 = arith.constant 11 : i32
    %dma_start3A_99 = tpu.memref_slice %arg5[%dma_start3A_98] : memref<16x!tpu.dma_semaphore, #tpu.memory_space<semaphore_mem>> -> memref<1x!tpu.dma_semaphore, #tpu.memory_space<semaphore_mem>>
    %dma_start3A_100 = tpu.memref_squeeze %dma_start3A_99 : memref<1x!tpu.dma_semaphore, #tpu.memory_space<semaphore_mem>> -> memref<!tpu.dma_semaphore, #tpu.memory_space<semaphore_mem>>
    %dma_start3A_101 = arith.constant 1408 : i32
    %dma_start3A_102 = arith.constant 0 : i32
    %dma_start3A_103 = tpu.memref_slice %arg3[%dma_start3A_101, %dma_start3A_102] : memref<2048x12288xf32, #tpu.memory_space<hbm>> -> memref<128x12288xf32, #tpu.memory_space<hbm>>
    %dma_start3A_104 = arith.constant 1408 : i32
    %dma_start3A_105 = arith.constant 0 : i32
    %dma_start3A_106 = tpu.memref_slice %arg1[%dma_start3A_104, %dma_start3A_105] : memref<2048x12288xf32, #tpu.memory_space<hbm>> -> memref<128x12288xf32, #tpu.memory_space<hbm>>
    tpu.enqueue_dma source(%dma_start3A_106 : memref<128x12288xf32, #tpu.memory_space<hbm>>) target(%dma_start3A_103 : memref<128x12288xf32, #tpu.memory_space<hbm>>) target_semaphore(%dma_start3A_100 : memref<!tpu.dma_semaphore, #tpu.memory_space<semaphore_mem>>)
    %dma_start3A_107 = arith.constant 12 : i32
    %dma_start3A_108 = tpu.memref_slice %arg5[%dma_start3A_107] : memref<16x!tpu.dma_semaphore, #tpu.memory_space<semaphore_mem>> -> memref<1x!tpu.dma_semaphore, #tpu.memory_space<semaphore_mem>>
    %dma_start3A_109 = tpu.memref_squeeze %dma_start3A_108 : memref<1x!tpu.dma_semaphore, #tpu.memory_space<semaphore_mem>> -> memref<!tpu.dma_semaphore, #tpu.memory_space<semaphore_mem>>
    %dma_start3A_110 = arith.constant 1536 : i32
    %dma_start3A_111 = arith.constant 0 : i32
    %dma_start3A_112 = tpu.memref_slice %arg3[%dma_start3A_110, %dma_start3A_111] : memref<2048x12288xf32, #tpu.memory_space<hbm>> -> memref<128x12288xf32, #tpu.memory_space<hbm>>
    %dma_start3A_113 = arith.constant 1536 : i32
    %dma_start3A_114 = arith.constant 0 : i32
    %dma_start3A_115 = tpu.memref_slice %arg1[%dma_start3A_113, %dma_start3A_114] : memref<2048x12288xf32, #tpu.memory_space<hbm>> -> memref<128x12288xf32, #tpu.memory_space<hbm>>
    tpu.enqueue_dma source(%dma_start3A_115 : memref<128x12288xf32, #tpu.memory_space<hbm>>) target(%dma_start3A_112 : memref<128x12288xf32, #tpu.memory_space<hbm>>) target_semaphore(%dma_start3A_109 : memref<!tpu.dma_semaphore, #tpu.memory_space<semaphore_mem>>)
    %dma_start3A_116 = arith.constant 13 : i32
    %dma_start3A_117 = tpu.memref_slice %arg5[%dma_start3A_116] : memref<16x!tpu.dma_semaphore, #tpu.memory_space<semaphore_mem>> -> memref<1x!tpu.dma_semaphore, #tpu.memory_space<semaphore_mem>>
    %dma_start3A_118 = tpu.memref_squeeze %dma_start3A_117 : memref<1x!tpu.dma_semaphore, #tpu.memory_space<semaphore_mem>> -> memref<!tpu.dma_semaphore, #tpu.memory_space<semaphore_mem>>
    %dma_start3A_119 = arith.constant 1664 : i32
    %dma_start3A_120 = arith.constant 0 : i32
    %dma_start3A_121 = tpu.memref_slice %arg3[%dma_start3A_119, %dma_start3A_120] : memref<2048x12288xf32, #tpu.memory_space<hbm>> -> memref<128x12288xf32, #tpu.memory_space<hbm>>
    %dma_start3A_122 = arith.constant 1664 : i32
    %dma_start3A_123 = arith.constant 0 : i32
    %dma_start3A_124 = tpu.memref_slice %arg1[%dma_start3A_122, %dma_start3A_123] : memref<2048x12288xf32, #tpu.memory_space<hbm>> -> memref<128x12288xf32, #tpu.memory_space<hbm>>
    tpu.enqueue_dma source(%dma_start3A_124 : memref<128x12288xf32, #tpu.memory_space<hbm>>) target(%dma_start3A_121 : memref<128x12288xf32, #tpu.memory_space<hbm>>) target_semaphore(%dma_start3A_118 : memref<!tpu.dma_semaphore, #tpu.memory_space<semaphore_mem>>)
    %dma_start3A_125 = arith.constant 14 : i32
    %dma_start3A_126 = tpu.memref_slice %arg5[%dma_start3A_125] : memref<16x!tpu.dma_semaphore, #tpu.memory_space<semaphore_mem>> -> memref<1x!tpu.dma_semaphore, #tpu.memory_space<semaphore_mem>>
    %dma_start3A_127 = tpu.memref_squeeze %dma_start3A_126 : memref<1x!tpu.dma_semaphore, #tpu.memory_space<semaphore_mem>> -> memref<!tpu.dma_semaphore, #tpu.memory_space<semaphore_mem>>
    %dma_start3A_128 = arith.constant 1792 : i32
    %dma_start3A_129 = arith.constant 0 : i32
    %dma_start3A_130 = tpu.memref_slice %arg3[%dma_start3A_128, %dma_start3A_129] : memref<2048x12288xf32, #tpu.memory_space<hbm>> -> memref<128x12288xf32, #tpu.memory_space<hbm>>
    %dma_start3A_131 = arith.constant 1792 : i32
    %dma_start3A_132 = arith.constant 0 : i32
    %dma_start3A_133 = tpu.memref_slice %arg1[%dma_start3A_131, %dma_start3A_132] : memref<2048x12288xf32, #tpu.memory_space<hbm>> -> memref<128x12288xf32, #tpu.memory_space<hbm>>
    tpu.enqueue_dma source(%dma_start3A_133 : memref<128x12288xf32, #tpu.memory_space<hbm>>) target(%dma_start3A_130 : memref<128x12288xf32, #tpu.memory_space<hbm>>) target_semaphore(%dma_start3A_127 : memref<!tpu.dma_semaphore, #tpu.memory_space<semaphore_mem>>)
    %dma_start3A_134 = arith.constant 15 : i32
    %dma_start3A_135 = tpu.memref_slice %arg5[%dma_start3A_134] : memref<16x!tpu.dma_semaphore, #tpu.memory_space<semaphore_mem>> -> memref<1x!tpu.dma_semaphore, #tpu.memory_space<semaphore_mem>>
    %dma_start3A_136 = tpu.memref_squeeze %dma_start3A_135 : memref<1x!tpu.dma_semaphore, #tpu.memory_space<semaphore_mem>> -> memref<!tpu.dma_semaphore, #tpu.memory_space<semaphore_mem>>
    %dma_start3A_137 = arith.constant 1920 : i32
    %dma_start3A_138 = arith.constant 0 : i32
    %dma_start3A_139 = tpu.memref_slice %arg3[%dma_start3A_137, %dma_start3A_138] : memref<2048x12288xf32, #tpu.memory_space<hbm>> -> memref<128x12288xf32, #tpu.memory_space<hbm>>
    %dma_start3A_140 = arith.constant 1920 : i32
    %dma_start3A_141 = arith.constant 0 : i32
    %dma_start3A_142 = tpu.memref_slice %arg1[%dma_start3A_140, %dma_start3A_141] : memref<2048x12288xf32, #tpu.memory_space<hbm>> -> memref<128x12288xf32, #tpu.memory_space<hbm>>
    tpu.enqueue_dma source(%dma_start3A_142 : memref<128x12288xf32, #tpu.memory_space<hbm>>) target(%dma_start3A_139 : memref<128x12288xf32, #tpu.memory_space<hbm>>) target_semaphore(%dma_start3A_136 : memref<!tpu.dma_semaphore, #tpu.memory_space<semaphore_mem>>)
    %scan3A = arith.constant 0 : i32
    %scan3A_143 = arith.constant 128 : i32
    %scan3A_144 = arith.addi %scan3A, %scan3A_143 : i32
    %scan3A_145 = arith.constant 1 : i32
    scf.for %scan3A_300 = %scan3A to %scan3A_144 step %scan3A_145  : i32 {
      %get3A = arith.index_cast %scan3A_300 : i32 to index
      %get3A_301 = memref.load %arg0[%get3A] : memref<128xi32, #tpu.memory_space<smem>>
      %swap3A = arith.index_cast %get3A_301 : i32 to index
      %swap3A_302 = memref.load %arg4[%swap3A] : memref<2048xi32, #tpu.memory_space<smem>>
      memref.store %scan3A_300, %arg4[%swap3A] : memref<2048xi32, #tpu.memory_space<smem>>
    }
    %scan3A_146 = arith.constant 128 : i32
    %dma_wait3A = arith.constant 0 : i32
    %dma_wait3A_147 = tpu.memref_slice %arg5[%dma_wait3A] : memref<16x!tpu.dma_semaphore, #tpu.memory_space<semaphore_mem>> -> memref<1x!tpu.dma_semaphore, #tpu.memory_space<semaphore_mem>>
    %dma_wait3A_148 = tpu.memref_squeeze %dma_wait3A_147 : memref<1x!tpu.dma_semaphore, #tpu.memory_space<semaphore_mem>> -> memref<!tpu.dma_semaphore, #tpu.memory_space<semaphore_mem>>
    %dma_wait3A_149 = arith.constant 0 : i32
    %dma_wait3A_150 = arith.constant 0 : i32
    %dma_wait3A_151 = tpu.memref_slice %arg3[%dma_wait3A_149, %dma_wait3A_150] : memref<2048x12288xf32, #tpu.memory_space<hbm>> -> memref<128x12288xf32, #tpu.memory_space<hbm>>
    %dma_wait3A_152 = arith.constant 0 : i32
    %dma_wait3A_153 = arith.constant 0 : i32
    %dma_wait3A_154 = tpu.memref_slice %arg1[%dma_wait3A_152, %dma_wait3A_153] : memref<2048x12288xf32, #tpu.memory_space<hbm>> -> memref<128x12288xf32, #tpu.memory_space<hbm>>
    tpu.wait_dma2 semaphore(%dma_wait3A_148 : memref<!tpu.dma_semaphore, #tpu.memory_space<semaphore_mem>>) src(%dma_wait3A_154 : memref<128x12288xf32, #tpu.memory_space<hbm>>) dst(%dma_wait3A_151 : memref<128x12288xf32, #tpu.memory_space<hbm>>)
    %dma_wait3A_155 = arith.constant 1 : i32
    %dma_wait3A_156 = tpu.memref_slice %arg5[%dma_wait3A_155] : memref<16x!tpu.dma_semaphore, #tpu.memory_space<semaphore_mem>> -> memref<1x!tpu.dma_semaphore, #tpu.memory_space<semaphore_mem>>
    %dma_wait3A_157 = tpu.memref_squeeze %dma_wait3A_156 : memref<1x!tpu.dma_semaphore, #tpu.memory_space<semaphore_mem>> -> memref<!tpu.dma_semaphore, #tpu.memory_space<semaphore_mem>>
    %dma_wait3A_158 = arith.constant 128 : i32
    %dma_wait3A_159 = arith.constant 0 : i32
    %dma_wait3A_160 = tpu.memref_slice %arg3[%dma_wait3A_158, %dma_wait3A_159] : memref<2048x12288xf32, #tpu.memory_space<hbm>> -> memref<128x12288xf32, #tpu.memory_space<hbm>>
    %dma_wait3A_161 = arith.constant 128 : i32
    %dma_wait3A_162 = arith.constant 0 : i32
    %dma_wait3A_163 = tpu.memref_slice %arg1[%dma_wait3A_161, %dma_wait3A_162] : memref<2048x12288xf32, #tpu.memory_space<hbm>> -> memref<128x12288xf32, #tpu.memory_space<hbm>>
    tpu.wait_dma2 semaphore(%dma_wait3A_157 : memref<!tpu.dma_semaphore, #tpu.memory_space<semaphore_mem>>) src(%dma_wait3A_163 : memref<128x12288xf32, #tpu.memory_space<hbm>>) dst(%dma_wait3A_160 : memref<128x12288xf32, #tpu.memory_space<hbm>>)
    %dma_wait3A_164 = arith.constant 2 : i32
    %dma_wait3A_165 = tpu.memref_slice %arg5[%dma_wait3A_164] : memref<16x!tpu.dma_semaphore, #tpu.memory_space<semaphore_mem>> -> memref<1x!tpu.dma_semaphore, #tpu.memory_space<semaphore_mem>>
    %dma_wait3A_166 = tpu.memref_squeeze %dma_wait3A_165 : memref<1x!tpu.dma_semaphore, #tpu.memory_space<semaphore_mem>> -> memref<!tpu.dma_semaphore, #tpu.memory_space<semaphore_mem>>
    %dma_wait3A_167 = arith.constant 256 : i32
    %dma_wait3A_168 = arith.constant 0 : i32
    %dma_wait3A_169 = tpu.memref_slice %arg3[%dma_wait3A_167, %dma_wait3A_168] : memref<2048x12288xf32, #tpu.memory_space<hbm>> -> memref<128x12288xf32, #tpu.memory_space<hbm>>
    %dma_wait3A_170 = arith.constant 256 : i32
    %dma_wait3A_171 = arith.constant 0 : i32
    %dma_wait3A_172 = tpu.memref_slice %arg1[%dma_wait3A_170, %dma_wait3A_171] : memref<2048x12288xf32, #tpu.memory_space<hbm>> -> memref<128x12288xf32, #tpu.memory_space<hbm>>
    tpu.wait_dma2 semaphore(%dma_wait3A_166 : memref<!tpu.dma_semaphore, #tpu.memory_space<semaphore_mem>>) src(%dma_wait3A_172 : memref<128x12288xf32, #tpu.memory_space<hbm>>) dst(%dma_wait3A_169 : memref<128x12288xf32, #tpu.memory_space<hbm>>)
    %dma_wait3A_173 = arith.constant 3 : i32
    %dma_wait3A_174 = tpu.memref_slice %arg5[%dma_wait3A_173] : memref<16x!tpu.dma_semaphore, #tpu.memory_space<semaphore_mem>> -> memref<1x!tpu.dma_semaphore, #tpu.memory_space<semaphore_mem>>
    %dma_wait3A_175 = tpu.memref_squeeze %dma_wait3A_174 : memref<1x!tpu.dma_semaphore, #tpu.memory_space<semaphore_mem>> -> memref<!tpu.dma_semaphore, #tpu.memory_space<semaphore_mem>>
    %dma_wait3A_176 = arith.constant 384 : i32
    %dma_wait3A_177 = arith.constant 0 : i32
    %dma_wait3A_178 = tpu.memref_slice %arg3[%dma_wait3A_176, %dma_wait3A_177] : memref<2048x12288xf32, #tpu.memory_space<hbm>> -> memref<128x12288xf32, #tpu.memory_space<hbm>>
    %dma_wait3A_179 = arith.constant 384 : i32
    %dma_wait3A_180 = arith.constant 0 : i32
    %dma_wait3A_181 = tpu.memref_slice %arg1[%dma_wait3A_179, %dma_wait3A_180] : memref<2048x12288xf32, #tpu.memory_space<hbm>> -> memref<128x12288xf32, #tpu.memory_space<hbm>>
    tpu.wait_dma2 semaphore(%dma_wait3A_175 : memref<!tpu.dma_semaphore, #tpu.memory_space<semaphore_mem>>) src(%dma_wait3A_181 : memref<128x12288xf32, #tpu.memory_space<hbm>>) dst(%dma_wait3A_178 : memref<128x12288xf32, #tpu.memory_space<hbm>>)
    %dma_wait3A_182 = arith.constant 4 : i32
    %dma_wait3A_183 = tpu.memref_slice %arg5[%dma_wait3A_182] : memref<16x!tpu.dma_semaphore, #tpu.memory_space<semaphore_mem>> -> memref<1x!tpu.dma_semaphore, #tpu.memory_space<semaphore_mem>>
    %dma_wait3A_184 = tpu.memref_squeeze %dma_wait3A_183 : memref<1x!tpu.dma_semaphore, #tpu.memory_space<semaphore_mem>> -> memref<!tpu.dma_semaphore, #tpu.memory_space<semaphore_mem>>
    %dma_wait3A_185 = arith.constant 512 : i32
    %dma_wait3A_186 = arith.constant 0 : i32
    %dma_wait3A_187 = tpu.memref_slice %arg3[%dma_wait3A_185, %dma_wait3A_186] : memref<2048x12288xf32, #tpu.memory_space<hbm>> -> memref<128x12288xf32, #tpu.memory_space<hbm>>
    %dma_wait3A_188 = arith.constant 512 : i32
    %dma_wait3A_189 = arith.constant 0 : i32
    %dma_wait3A_190 = tpu.memref_slice %arg1[%dma_wait3A_188, %dma_wait3A_189] : memref<2048x12288xf32, #tpu.memory_space<hbm>> -> memref<128x12288xf32, #tpu.memory_space<hbm>>
    tpu.wait_dma2 semaphore(%dma_wait3A_184 : memref<!tpu.dma_semaphore, #tpu.memory_space<semaphore_mem>>) src(%dma_wait3A_190 : memref<128x12288xf32, #tpu.memory_space<hbm>>) dst(%dma_wait3A_187 : memref<128x12288xf32, #tpu.memory_space<hbm>>)
    %dma_wait3A_191 = arith.constant 5 : i32
    %dma_wait3A_192 = tpu.memref_slice %arg5[%dma_wait3A_191] : memref<16x!tpu.dma_semaphore, #tpu.memory_space<semaphore_mem>> -> memref<1x!tpu.dma_semaphore, #tpu.memory_space<semaphore_mem>>
    %dma_wait3A_193 = tpu.memref_squeeze %dma_wait3A_192 : memref<1x!tpu.dma_semaphore, #tpu.memory_space<semaphore_mem>> -> memref<!tpu.dma_semaphore, #tpu.memory_space<semaphore_mem>>
    %dma_wait3A_194 = arith.constant 640 : i32
    %dma_wait3A_195 = arith.constant 0 : i32
    %dma_wait3A_196 = tpu.memref_slice %arg3[%dma_wait3A_194, %dma_wait3A_195] : memref<2048x12288xf32, #tpu.memory_space<hbm>> -> memref<128x12288xf32, #tpu.memory_space<hbm>>
    %dma_wait3A_197 = arith.constant 640 : i32
    %dma_wait3A_198 = arith.constant 0 : i32
    %dma_wait3A_199 = tpu.memref_slice %arg1[%dma_wait3A_197, %dma_wait3A_198] : memref<2048x12288xf32, #tpu.memory_space<hbm>> -> memref<128x12288xf32, #tpu.memory_space<hbm>>
    tpu.wait_dma2 semaphore(%dma_wait3A_193 : memref<!tpu.dma_semaphore, #tpu.memory_space<semaphore_mem>>) src(%dma_wait3A_199 : memref<128x12288xf32, #tpu.memory_space<hbm>>) dst(%dma_wait3A_196 : memref<128x12288xf32, #tpu.memory_space<hbm>>)
    %dma_wait3A_200 = arith.constant 6 : i32
    %dma_wait3A_201 = tpu.memref_slice %arg5[%dma_wait3A_200] : memref<16x!tpu.dma_semaphore, #tpu.memory_space<semaphore_mem>> -> memref<1x!tpu.dma_semaphore, #tpu.memory_space<semaphore_mem>>
    %dma_wait3A_202 = tpu.memref_squeeze %dma_wait3A_201 : memref<1x!tpu.dma_semaphore, #tpu.memory_space<semaphore_mem>> -> memref<!tpu.dma_semaphore, #tpu.memory_space<semaphore_mem>>
    %dma_wait3A_203 = arith.constant 768 : i32
    %dma_wait3A_204 = arith.constant 0 : i32
    %dma_wait3A_205 = tpu.memref_slice %arg3[%dma_wait3A_203, %dma_wait3A_204] : memref<2048x12288xf32, #tpu.memory_space<hbm>> -> memref<128x12288xf32, #tpu.memory_space<hbm>>
    %dma_wait3A_206 = arith.constant 768 : i32
    %dma_wait3A_207 = arith.constant 0 : i32
    %dma_wait3A_208 = tpu.memref_slice %arg1[%dma_wait3A_206, %dma_wait3A_207] : memref<2048x12288xf32, #tpu.memory_space<hbm>> -> memref<128x12288xf32, #tpu.memory_space<hbm>>
    tpu.wait_dma2 semaphore(%dma_wait3A_202 : memref<!tpu.dma_semaphore, #tpu.memory_space<semaphore_mem>>) src(%dma_wait3A_208 : memref<128x12288xf32, #tpu.memory_space<hbm>>) dst(%dma_wait3A_205 : memref<128x12288xf32, #tpu.memory_space<hbm>>)
    %dma_wait3A_209 = arith.constant 7 : i32
    %dma_wait3A_210 = tpu.memref_slice %arg5[%dma_wait3A_209] : memref<16x!tpu.dma_semaphore, #tpu.memory_space<semaphore_mem>> -> memref<1x!tpu.dma_semaphore, #tpu.memory_space<semaphore_mem>>
    %dma_wait3A_211 = tpu.memref_squeeze %dma_wait3A_210 : memref<1x!tpu.dma_semaphore, #tpu.memory_space<semaphore_mem>> -> memref<!tpu.dma_semaphore, #tpu.memory_space<semaphore_mem>>
    %dma_wait3A_212 = arith.constant 896 : i32
    %dma_wait3A_213 = arith.constant 0 : i32
    %dma_wait3A_214 = tpu.memref_slice %arg3[%dma_wait3A_212, %dma_wait3A_213] : memref<2048x12288xf32, #tpu.memory_space<hbm>> -> memref<128x12288xf32, #tpu.memory_space<hbm>>
    %dma_wait3A_215 = arith.constant 896 : i32
    %dma_wait3A_216 = arith.constant 0 : i32
    %dma_wait3A_217 = tpu.memref_slice %arg1[%dma_wait3A_215, %dma_wait3A_216] : memref<2048x12288xf32, #tpu.memory_space<hbm>> -> memref<128x12288xf32, #tpu.memory_space<hbm>>
    tpu.wait_dma2 semaphore(%dma_wait3A_211 : memref<!tpu.dma_semaphore, #tpu.memory_space<semaphore_mem>>) src(%dma_wait3A_217 : memref<128x12288xf32, #tpu.memory_space<hbm>>) dst(%dma_wait3A_214 : memref<128x12288xf32, #tpu.memory_space<hbm>>)
    %dma_wait3A_218 = arith.constant 8 : i32
    %dma_wait3A_219 = tpu.memref_slice %arg5[%dma_wait3A_218] : memref<16x!tpu.dma_semaphore, #tpu.memory_space<semaphore_mem>> -> memref<1x!tpu.dma_semaphore, #tpu.memory_space<semaphore_mem>>
    %dma_wait3A_220 = tpu.memref_squeeze %dma_wait3A_219 : memref<1x!tpu.dma_semaphore, #tpu.memory_space<semaphore_mem>> -> memref<!tpu.dma_semaphore, #tpu.memory_space<semaphore_mem>>
    %dma_wait3A_221 = arith.constant 1024 : i32
    %dma_wait3A_222 = arith.constant 0 : i32
    %dma_wait3A_223 = tpu.memref_slice %arg3[%dma_wait3A_221, %dma_wait3A_222] : memref<2048x12288xf32, #tpu.memory_space<hbm>> -> memref<128x12288xf32, #tpu.memory_space<hbm>>
    %dma_wait3A_224 = arith.constant 1024 : i32
    %dma_wait3A_225 = arith.constant 0 : i32
    %dma_wait3A_226 = tpu.memref_slice %arg1[%dma_wait3A_224, %dma_wait3A_225] : memref<2048x12288xf32, #tpu.memory_space<hbm>> -> memref<128x12288xf32, #tpu.memory_space<hbm>>
    tpu.wait_dma2 semaphore(%dma_wait3A_220 : memref<!tpu.dma_semaphore, #tpu.memory_space<semaphore_mem>>) src(%dma_wait3A_226 : memref<128x12288xf32, #tpu.memory_space<hbm>>) dst(%dma_wait3A_223 : memref<128x12288xf32, #tpu.memory_space<hbm>>)
    %dma_wait3A_227 = arith.constant 9 : i32
    %dma_wait3A_228 = tpu.memref_slice %arg5[%dma_wait3A_227] : memref<16x!tpu.dma_semaphore, #tpu.memory_space<semaphore_mem>> -> memref<1x!tpu.dma_semaphore, #tpu.memory_space<semaphore_mem>>
    %dma_wait3A_229 = tpu.memref_squeeze %dma_wait3A_228 : memref<1x!tpu.dma_semaphore, #tpu.memory_space<semaphore_mem>> -> memref<!tpu.dma_semaphore, #tpu.memory_space<semaphore_mem>>
    %dma_wait3A_230 = arith.constant 1152 : i32
    %dma_wait3A_231 = arith.constant 0 : i32
    %dma_wait3A_232 = tpu.memref_slice %arg3[%dma_wait3A_230, %dma_wait3A_231] : memref<2048x12288xf32, #tpu.memory_space<hbm>> -> memref<128x12288xf32, #tpu.memory_space<hbm>>
    %dma_wait3A_233 = arith.constant 1152 : i32
    %dma_wait3A_234 = arith.constant 0 : i32
    %dma_wait3A_235 = tpu.memref_slice %arg1[%dma_wait3A_233, %dma_wait3A_234] : memref<2048x12288xf32, #tpu.memory_space<hbm>> -> memref<128x12288xf32, #tpu.memory_space<hbm>>
    tpu.wait_dma2 semaphore(%dma_wait3A_229 : memref<!tpu.dma_semaphore, #tpu.memory_space<semaphore_mem>>) src(%dma_wait3A_235 : memref<128x12288xf32, #tpu.memory_space<hbm>>) dst(%dma_wait3A_232 : memref<128x12288xf32, #tpu.memory_space<hbm>>)
    %dma_wait3A_236 = arith.constant 10 : i32
    %dma_wait3A_237 = tpu.memref_slice %arg5[%dma_wait3A_236] : memref<16x!tpu.dma_semaphore, #tpu.memory_space<semaphore_mem>> -> memref<1x!tpu.dma_semaphore, #tpu.memory_space<semaphore_mem>>
    %dma_wait3A_238 = tpu.memref_squeeze %dma_wait3A_237 : memref<1x!tpu.dma_semaphore, #tpu.memory_space<semaphore_mem>> -> memref<!tpu.dma_semaphore, #tpu.memory_space<semaphore_mem>>
    %dma_wait3A_239 = arith.constant 1280 : i32
    %dma_wait3A_240 = arith.constant 0 : i32
    %dma_wait3A_241 = tpu.memref_slice %arg3[%dma_wait3A_239, %dma_wait3A_240] : memref<2048x12288xf32, #tpu.memory_space<hbm>> -> memref<128x12288xf32, #tpu.memory_space<hbm>>
    %dma_wait3A_242 = arith.constant 1280 : i32
    %dma_wait3A_243 = arith.constant 0 : i32
    %dma_wait3A_244 = tpu.memref_slice %arg1[%dma_wait3A_242, %dma_wait3A_243] : memref<2048x12288xf32, #tpu.memory_space<hbm>> -> memref<128x12288xf32, #tpu.memory_space<hbm>>
    tpu.wait_dma2 semaphore(%dma_wait3A_238 : memref<!tpu.dma_semaphore, #tpu.memory_space<semaphore_mem>>) src(%dma_wait3A_244 : memref<128x12288xf32, #tpu.memory_space<hbm>>) dst(%dma_wait3A_241 : memref<128x12288xf32, #tpu.memory_space<hbm>>)
    %dma_wait3A_245 = arith.constant 11 : i32
    %dma_wait3A_246 = tpu.memref_slice %arg5[%dma_wait3A_245] : memref<16x!tpu.dma_semaphore, #tpu.memory_space<semaphore_mem>> -> memref<1x!tpu.dma_semaphore, #tpu.memory_space<semaphore_mem>>
    %dma_wait3A_247 = tpu.memref_squeeze %dma_wait3A_246 : memref<1x!tpu.dma_semaphore, #tpu.memory_space<semaphore_mem>> -> memref<!tpu.dma_semaphore, #tpu.memory_space<semaphore_mem>>
    %dma_wait3A_248 = arith.constant 1408 : i32
    %dma_wait3A_249 = arith.constant 0 : i32
    %dma_wait3A_250 = tpu.memref_slice %arg3[%dma_wait3A_248, %dma_wait3A_249] : memref<2048x12288xf32, #tpu.memory_space<hbm>> -> memref<128x12288xf32, #tpu.memory_space<hbm>>
    %dma_wait3A_251 = arith.constant 1408 : i32
    %dma_wait3A_252 = arith.constant 0 : i32
    %dma_wait3A_253 = tpu.memref_slice %arg1[%dma_wait3A_251, %dma_wait3A_252] : memref<2048x12288xf32, #tpu.memory_space<hbm>> -> memref<128x12288xf32, #tpu.memory_space<hbm>>
    tpu.wait_dma2 semaphore(%dma_wait3A_247 : memref<!tpu.dma_semaphore, #tpu.memory_space<semaphore_mem>>) src(%dma_wait3A_253 : memref<128x12288xf32, #tpu.memory_space<hbm>>) dst(%dma_wait3A_250 : memref<128x12288xf32, #tpu.memory_space<hbm>>)
    %dma_wait3A_254 = arith.constant 12 : i32
    %dma_wait3A_255 = tpu.memref_slice %arg5[%dma_wait3A_254] : memref<16x!tpu.dma_semaphore, #tpu.memory_space<semaphore_mem>> -> memref<1x!tpu.dma_semaphore, #tpu.memory_space<semaphore_mem>>
    %dma_wait3A_256 = tpu.memref_squeeze %dma_wait3A_255 : memref<1x!tpu.dma_semaphore, #tpu.memory_space<semaphore_mem>> -> memref<!tpu.dma_semaphore, #tpu.memory_space<semaphore_mem>>
    %dma_wait3A_257 = arith.constant 1536 : i32
    %dma_wait3A_258 = arith.constant 0 : i32
    %dma_wait3A_259 = tpu.memref_slice %arg3[%dma_wait3A_257, %dma_wait3A_258] : memref<2048x12288xf32, #tpu.memory_space<hbm>> -> memref<128x12288xf32, #tpu.memory_space<hbm>>
    %dma_wait3A_260 = arith.constant 1536 : i32
    %dma_wait3A_261 = arith.constant 0 : i32
    %dma_wait3A_262 = tpu.memref_slice %arg1[%dma_wait3A_260, %dma_wait3A_261] : memref<2048x12288xf32, #tpu.memory_space<hbm>> -> memref<128x12288xf32, #tpu.memory_space<hbm>>
    tpu.wait_dma2 semaphore(%dma_wait3A_256 : memref<!tpu.dma_semaphore, #tpu.memory_space<semaphore_mem>>) src(%dma_wait3A_262 : memref<128x12288xf32, #tpu.memory_space<hbm>>) dst(%dma_wait3A_259 : memref<128x12288xf32, #tpu.memory_space<hbm>>)
    %dma_wait3A_263 = arith.constant 13 : i32
    %dma_wait3A_264 = tpu.memref_slice %arg5[%dma_wait3A_263] : memref<16x!tpu.dma_semaphore, #tpu.memory_space<semaphore_mem>> -> memref<1x!tpu.dma_semaphore, #tpu.memory_space<semaphore_mem>>
    %dma_wait3A_265 = tpu.memref_squeeze %dma_wait3A_264 : memref<1x!tpu.dma_semaphore, #tpu.memory_space<semaphore_mem>> -> memref<!tpu.dma_semaphore, #tpu.memory_space<semaphore_mem>>
    %dma_wait3A_266 = arith.constant 1664 : i32
    %dma_wait3A_267 = arith.constant 0 : i32
    %dma_wait3A_268 = tpu.memref_slice %arg3[%dma_wait3A_266, %dma_wait3A_267] : memref<2048x12288xf32, #tpu.memory_space<hbm>> -> memref<128x12288xf32, #tpu.memory_space<hbm>>
    %dma_wait3A_269 = arith.constant 1664 : i32
    %dma_wait3A_270 = arith.constant 0 : i32
    %dma_wait3A_271 = tpu.memref_slice %arg1[%dma_wait3A_269, %dma_wait3A_270] : memref<2048x12288xf32, #tpu.memory_space<hbm>> -> memref<128x12288xf32, #tpu.memory_space<hbm>>
    tpu.wait_dma2 semaphore(%dma_wait3A_265 : memref<!tpu.dma_semaphore, #tpu.memory_space<semaphore_mem>>) src(%dma_wait3A_271 : memref<128x12288xf32, #tpu.memory_space<hbm>>) dst(%dma_wait3A_268 : memref<128x12288xf32, #tpu.memory_space<hbm>>)
    %dma_wait3A_272 = arith.constant 14 : i32
    %dma_wait3A_273 = tpu.memref_slice %arg5[%dma_wait3A_272] : memref<16x!tpu.dma_semaphore, #tpu.memory_space<semaphore_mem>> -> memref<1x!tpu.dma_semaphore, #tpu.memory_space<semaphore_mem>>
    %dma_wait3A_274 = tpu.memref_squeeze %dma_wait3A_273 : memref<1x!tpu.dma_semaphore, #tpu.memory_space<semaphore_mem>> -> memref<!tpu.dma_semaphore, #tpu.memory_space<semaphore_mem>>
    %dma_wait3A_275 = arith.constant 1792 : i32
    %dma_wait3A_276 = arith.constant 0 : i32
    %dma_wait3A_277 = tpu.memref_slice %arg3[%dma_wait3A_275, %dma_wait3A_276] : memref<2048x12288xf32, #tpu.memory_space<hbm>> -> memref<128x12288xf32, #tpu.memory_space<hbm>>
    %dma_wait3A_278 = arith.constant 1792 : i32
    %dma_wait3A_279 = arith.constant 0 : i32
    %dma_wait3A_280 = tpu.memref_slice %arg1[%dma_wait3A_278, %dma_wait3A_279] : memref<2048x12288xf32, #tpu.memory_space<hbm>> -> memref<128x12288xf32, #tpu.memory_space<hbm>>
    tpu.wait_dma2 semaphore(%dma_wait3A_274 : memref<!tpu.dma_semaphore, #tpu.memory_space<semaphore_mem>>) src(%dma_wait3A_280 : memref<128x12288xf32, #tpu.memory_space<hbm>>) dst(%dma_wait3A_277 : memref<128x12288xf32, #tpu.memory_space<hbm>>)
    %dma_wait3A_281 = arith.constant 15 : i32
    %dma_wait3A_282 = tpu.memref_slice %arg5[%dma_wait3A_281] : memref<16x!tpu.dma_semaphore, #tpu.memory_space<semaphore_mem>> -> memref<1x!tpu.dma_semaphore, #tpu.memory_space<semaphore_mem>>
    %dma_wait3A_283 = tpu.memref_squeeze %dma_wait3A_282 : memref<1x!tpu.dma_semaphore, #tpu.memory_space<semaphore_mem>> -> memref<!tpu.dma_semaphore, #tpu.memory_space<semaphore_mem>>
    %dma_wait3A_284 = arith.constant 1920 : i32
    %dma_wait3A_285 = arith.constant 0 : i32
    %dma_wait3A_286 = tpu.memref_slice %arg3[%dma_wait3A_284, %dma_wait3A_285] : memref<2048x12288xf32, #tpu.memory_space<hbm>> -> memref<128x12288xf32, #tpu.memory_space<hbm>>
    %dma_wait3A_287 = arith.constant 1920 : i32
    %dma_wait3A_288 = arith.constant 0 : i32
    %dma_wait3A_289 = tpu.memref_slice %arg1[%dma_wait3A_287, %dma_wait3A_288] : memref<2048x12288xf32, #tpu.memory_space<hbm>> -> memref<128x12288xf32, #tpu.memory_space<hbm>>
    tpu.wait_dma2 semaphore(%dma_wait3A_283 : memref<!tpu.dma_semaphore, #tpu.memory_space<semaphore_mem>>) src(%dma_wait3A_289 : memref<128x12288xf32, #tpu.memory_space<hbm>>) dst(%dma_wait3A_286 : memref<128x12288xf32, #tpu.memory_space<hbm>>)
    %scan3A_290 = arith.constant 0 : i32
    %scan3A_291 = arith.constant 128 : i32
    %scan3A_292 = arith.addi %scan3A_290, %scan3A_291 : i32
    %scan3A_293 = arith.constant 1 : i32
    scf.for %scan3A_300 = %scan3A_290 to %scan3A_292 step %scan3A_293  : i32 {
      %get3A = arith.index_cast %scan3A_300 : i32 to index
      %get3A_301 = memref.load %arg0[%get3A] : memref<128xi32, #tpu.memory_space<smem>>
      %get3A_302 = arith.index_cast %get3A_301 : i32 to index
      %get3A_303 = memref.load %arg4[%get3A_302] : memref<2048xi32, #tpu.memory_space<smem>>
      %eq3A = arith.cmpi eq, %get3A_303, %scan3A_300 : i32
      %convert_element_type3A = arith.extui %eq3A : i1 to i32
      %cond3A = arith.constant 0 : i32
      %cond3A_304 = arith.cmpi ne, %convert_element_type3A, %cond3A : i32
      scf.if %cond3A_304 {
        %dma_start3A_305 = arith.constant 0 : i32
        %dma_start3A_306 = tpu.memref_slice %arg3[%get3A_301, %dma_start3A_305] : memref<2048x12288xf32, #tpu.memory_space<hbm>> -> memref<1x12288xf32, #tpu.memory_space<hbm>>
        %dma_start3A_307 = tpu.memref_squeeze %dma_start3A_306 : memref<1x12288xf32, #tpu.memory_space<hbm>> -> memref<12288xf32, #tpu.memory_space<hbm>>
        %dma_start3A_308 = arith.constant 4096 : i32
        %dma_start3A_309 = tpu.memref_slice %arg2[%scan3A_300, %dma_start3A_308] : memref<128x16384xf32, #tpu.memory_space<hbm>> -> memref<1x12288xf32, #tpu.memory_space<hbm>>
        %dma_start3A_310 = tpu.memref_squeeze %dma_start3A_309 : memref<1x12288xf32, #tpu.memory_space<hbm>> -> memref<12288xf32, #tpu.memory_space<hbm>>
        tpu.enqueue_dma source(%dma_start3A_310 : memref<12288xf32, #tpu.memory_space<hbm>>) target(%dma_start3A_307 : memref<12288xf32, #tpu.memory_space<hbm>>) target_semaphore(%arg6 : memref<!tpu.dma_semaphore, #tpu.memory_space<semaphore_mem>>)
      } else {
      }
    }
    %scan3A_294 = arith.constant 128 : i32
    %scan3A_295 = arith.constant 0 : i32
    %scan3A_296 = arith.constant 128 : i32
    %scan3A_297 = arith.addi %scan3A_295, %scan3A_296 : i32
    %scan3A_298 = arith.constant 1 : i32
    scf.for %scan3A_300 = %scan3A_295 to %scan3A_297 step %scan3A_298  : i32 {
      %get3A = arith.index_cast %scan3A_300 : i32 to index
      %get3A_301 = memref.load %arg0[%get3A] : memref<128xi32, #tpu.memory_space<smem>>
      %get3A_302 = arith.index_cast %get3A_301 : i32 to index
      %get3A_303 = memref.load %arg4[%get3A_302] : memref<2048xi32, #tpu.memory_space<smem>>
      %eq3A = arith.cmpi eq, %get3A_303, %scan3A_300 : i32
      %convert_element_type3A = arith.extui %eq3A : i1 to i32
      %cond3A = arith.constant 0 : i32
      %cond3A_304 = arith.cmpi ne, %convert_element_type3A, %cond3A : i32
      scf.if %cond3A_304 {
        %dma_wait3A_305 = arith.constant 0 : i32
        %dma_wait3A_306 = tpu.memref_slice %arg3[%get3A_301, %dma_wait3A_305] : memref<2048x12288xf32, #tpu.memory_space<hbm>> -> memref<1x12288xf32, #tpu.memory_space<hbm>>
        %dma_wait3A_307 = tpu.memref_squeeze %dma_wait3A_306 : memref<1x12288xf32, #tpu.memory_space<hbm>> -> memref<12288xf32, #tpu.memory_space<hbm>>
        %dma_wait3A_308 = arith.constant 4096 : i32
        %dma_wait3A_309 = tpu.memref_slice %arg2[%scan3A_300, %dma_wait3A_308] : memref<128x16384xf32, #tpu.memory_space<hbm>> -> memref<1x12288xf32, #tpu.memory_space<hbm>>
        %dma_wait3A_310 = tpu.memref_squeeze %dma_wait3A_309 : memref<1x12288xf32, #tpu.memory_space<hbm>> -> memref<12288xf32, #tpu.memory_space<hbm>>
        tpu.wait_dma2 semaphore(%arg6 : memref<!tpu.dma_semaphore, #tpu.memory_space<semaphore_mem>>) src(%dma_wait3A_310 : memref<12288xf32, #tpu.memory_space<hbm>>) dst(%dma_wait3A_307 : memref<12288xf32, #tpu.memory_space<hbm>>)
      } else {
      }
    }
    %scan3A_299 = arith.constant 128 : i32
    return
  }
}

module attributes {stable_mosaic.version = 14 : i64} {
  func.func @_conv_body(%arg0: i32, %arg1: memref<128xi32, #tpu.memory_space<smem>>, %arg2: memref<1x3x4096xf32, #tpu.memory_space<vmem>>, %arg3: memref<1x4x4096xf32, #tpu.memory_space<vmem>>, %arg4: memref<4x4096xf32, #tpu.memory_space<vmem>>, %arg5: memref<1x4096xf32, #tpu.memory_space<vmem>>, %arg6: memref<1x4x4096xf32, #tpu.memory_space<vmem>>) attributes {dimension_semantics = [#tpu.dimension_semantics<arbitrary>], iteration_bounds = array<i64: 128>, scalar_prefetch = 1 : i64, scratch_operands = 0 : i64, tpu.core_type = #tpu.core_type<tc>, window_params = [{transform_indices = @transform_0, window_bounds = array<i64: 1, 3, 4096>}, {transform_indices = @transform_1, window_bounds = array<i64: 1, 4, 4096>}, {pipeline_mode = #tpu.pipeline_mode<synchronous>, transform_indices = @transform_2, window_bounds = array<i64: 4, 4096>}, {pipeline_mode = #tpu.pipeline_mode<synchronous>, transform_indices = @transform_3, window_bounds = array<i64: 1, 4096>}, {transform_indices = @transform_4, window_bounds = array<i64: 1, 4, 4096>}]} {
    %get3A = arith.constant 0 : index
    %get3A_0 = arith.constant 0 : index
    %get3A_1 = arith.constant 0 : index
    %get3A_2 = vector.load %arg2[%get3A, %get3A_0, %get3A_1] : memref<1x3x4096xf32, #tpu.memory_space<vmem>>, vector<1x3x4096xf32>
    %get3A_3 = vector.shape_cast %get3A_2 : vector<1x3x4096xf32> to vector<3x4096xf32>
    %get3A_4 = arith.constant 0 : index
    %get3A_5 = arith.constant 0 : index
    %get3A_6 = arith.constant 0 : index
    %get3A_7 = vector.load %arg3[%get3A_4, %get3A_5, %get3A_6] : memref<1x4x4096xf32, #tpu.memory_space<vmem>>, vector<1x4x4096xf32>
    %get3A_8 = vector.shape_cast %get3A_7 : vector<1x4x4096xf32> to vector<4x4096xf32>
    %concatenate3A = tpu.concatenate %get3A_3, %get3A_8 in 0 : vector<3x4096xf32>, vector<4x4096xf32> -> vector<7x4096xf32>
    %get3A_9 = arith.constant 0 : index
    %get3A_10 = arith.constant 0 : index
    %get3A_11 = vector.load %arg5[%get3A_9, %get3A_10] : memref<1x4096xf32, #tpu.memory_space<vmem>>, vector<1x4096xf32>
    %get3A_12 = vector.shape_cast %get3A_11 : vector<1x4096xf32> to vector<4096xf32>
    %broadcast_in_dim3A = vector.shape_cast %get3A_12 : vector<4096xf32> to vector<1x4096xf32>
    %broadcast_in_dim3A_13 = vector.shape_cast %broadcast_in_dim3A : vector<1x4096xf32> to vector<1x4096xf32>
    %broadcast_in_dim3A_14 = vector.broadcast %broadcast_in_dim3A_13 : vector<1x4096xf32> to vector<4x4096xf32>
    %slice3A = vector.extract_strided_slice %concatenate3A {offsets = [0, 0], sizes = [4, 4096], strides = [1, 1]} : vector<7x4096xf32> to vector<4x4096xf32>
    %get3A_15 = arith.constant 0 : index
    %get3A_16 = arith.constant 0 : index
    %get3A_17 = vector.load %arg4[%get3A_15, %get3A_16] : memref<4x4096xf32, #tpu.memory_space<vmem>>, vector<1x4096xf32>
    %get3A_18 = vector.shape_cast %get3A_17 : vector<1x4096xf32> to vector<4096xf32>
    %broadcast_in_dim3A_19 = vector.shape_cast %get3A_18 : vector<4096xf32> to vector<1x4096xf32>
    %mul3A = vector.broadcast %broadcast_in_dim3A_19 : vector<1x4096xf32> to vector<4x4096xf32>
    %mul3A_20 = arith.mulf %slice3A, %mul3A : vector<4x4096xf32>
    %add3A = arith.addf %broadcast_in_dim3A_14, %mul3A_20 : vector<4x4096xf32>
    %slice3A_21 = vector.extract_strided_slice %concatenate3A {offsets = [1, 0], sizes = [4, 4096], strides = [1, 1]} : vector<7x4096xf32> to vector<4x4096xf32>
    %get3A_22 = arith.constant 1 : index
    %get3A_23 = arith.constant 0 : index
    %get3A_24 = vector.load %arg4[%get3A_22, %get3A_23] : memref<4x4096xf32, #tpu.memory_space<vmem>>, vector<1x4096xf32>
    %get3A_25 = vector.shape_cast %get3A_24 : vector<1x4096xf32> to vector<4096xf32>
    %broadcast_in_dim3A_26 = vector.shape_cast %get3A_25 : vector<4096xf32> to vector<1x4096xf32>
    %mul3A_27 = vector.broadcast %broadcast_in_dim3A_26 : vector<1x4096xf32> to vector<4x4096xf32>
    %mul3A_28 = arith.mulf %slice3A_21, %mul3A_27 : vector<4x4096xf32>
    %add3A_29 = arith.addf %add3A, %mul3A_28 : vector<4x4096xf32>
    %slice3A_30 = vector.extract_strided_slice %concatenate3A {offsets = [2, 0], sizes = [4, 4096], strides = [1, 1]} : vector<7x4096xf32> to vector<4x4096xf32>
    %get3A_31 = arith.constant 2 : index
    %get3A_32 = arith.constant 0 : index
    %get3A_33 = vector.load %arg4[%get3A_31, %get3A_32] : memref<4x4096xf32, #tpu.memory_space<vmem>>, vector<1x4096xf32>
    %get3A_34 = vector.shape_cast %get3A_33 : vector<1x4096xf32> to vector<4096xf32>
    %broadcast_in_dim3A_35 = vector.shape_cast %get3A_34 : vector<4096xf32> to vector<1x4096xf32>
    %mul3A_36 = vector.broadcast %broadcast_in_dim3A_35 : vector<1x4096xf32> to vector<4x4096xf32>
    %mul3A_37 = arith.mulf %slice3A_30, %mul3A_36 : vector<4x4096xf32>
    %add3A_38 = arith.addf %add3A_29, %mul3A_37 : vector<4x4096xf32>
    %slice3A_39 = vector.extract_strided_slice %concatenate3A {offsets = [3, 0], sizes = [4, 4096], strides = [1, 1]} : vector<7x4096xf32> to vector<4x4096xf32>
    %get3A_40 = arith.constant 3 : index
    %get3A_41 = arith.constant 0 : index
    %get3A_42 = vector.load %arg4[%get3A_40, %get3A_41] : memref<4x4096xf32, #tpu.memory_space<vmem>>, vector<1x4096xf32>
    %get3A_43 = vector.shape_cast %get3A_42 : vector<1x4096xf32> to vector<4096xf32>
    %broadcast_in_dim3A_44 = vector.shape_cast %get3A_43 : vector<4096xf32> to vector<1x4096xf32>
    %mul3A_45 = vector.broadcast %broadcast_in_dim3A_44 : vector<1x4096xf32> to vector<4x4096xf32>
    %mul3A_46 = arith.mulf %slice3A_39, %mul3A_45 : vector<4x4096xf32>
    %add3A_47 = arith.addf %add3A_38, %mul3A_46 : vector<4x4096xf32>
    %logistic3A = arith.negf %add3A_47 : vector<4x4096xf32>
    %logistic3A_48 = math.exp %logistic3A : vector<4x4096xf32>
    %logistic3A_49 = arith.constant 1.000000e+00 : f32
    %logistic3A_50 = vector.broadcast %logistic3A_49 : f32 to vector<4x4096xf32>
    %logistic3A_51 = arith.addf %logistic3A_50, %logistic3A_48 : vector<4x4096xf32>
    %logistic3A_52 = arith.divf %logistic3A_50, %logistic3A_51 : vector<4x4096xf32>
    %mul3A_53 = arith.mulf %add3A_47, %logistic3A_52 : vector<4x4096xf32>
    %swap3A = arith.constant 0 : index
    %swap3A_54 = arith.constant 0 : index
    %swap3A_55 = arith.constant 0 : index
    %swap3A_56 = vector.load %arg6[%swap3A, %swap3A_54, %swap3A_55] : memref<1x4x4096xf32, #tpu.memory_space<vmem>>, vector<1x4x4096xf32>
    %swap3A_57 = vector.shape_cast %swap3A_56 : vector<1x4x4096xf32> to vector<4x4096xf32>
    %swap3A_58 = vector.shape_cast %mul3A_53 : vector<4x4096xf32> to vector<1x4x4096xf32>
    tpu.vector_store %arg6[%swap3A, %swap3A_54, %swap3A_55], %swap3A_58 {strides = array<i32>} : memref<1x4x4096xf32, #tpu.memory_space<vmem>>, vector<1x4x4096xf32>,
    return
  }
  func.func @transform_0(%arg0: i32, %arg1: memref<128xi32, #tpu.memory_space<smem>>) -> (i32, i32, i32) {
    %get3A = arith.index_cast %arg0 : i32 to index
    %get3A_0 = memref.load %arg1[%get3A] : memref<128xi32, #tpu.memory_space<smem>>
    %c0_i32 = arith.constant 0 : i32
    %c0_i32_1 = arith.constant 0 : i32
    %c0_i32_2 = arith.constant 0 : i32
    return %get3A_0, %c0_i32, %c0_i32_1 : i32, i32, i32
  }
  func.func @transform_1(%arg0: i32, %arg1: memref<128xi32, #tpu.memory_space<smem>>) -> (i32, i32, i32) {
    %c0_i32 = arith.constant 0 : i32
    %c0_i32_0 = arith.constant 0 : i32
    %c0_i32_1 = arith.constant 0 : i32
    return %arg0, %c0_i32, %c0_i32_0 : i32, i32, i32
  }
  func.func @transform_2(%arg0: i32, %arg1: memref<128xi32, #tpu.memory_space<smem>>) -> (i32, i32) {
    %c0_i32 = arith.constant 0 : i32
    %c0_i32_0 = arith.constant 0 : i32
    %c0_i32_1 = arith.constant 0 : i32
    return %c0_i32, %c0_i32_0 : i32, i32
  }
  func.func @transform_3(%arg0: i32, %arg1: memref<128xi32, #tpu.memory_space<smem>>) -> (i32, i32) {
    %c0_i32 = arith.constant 0 : i32
    %c0_i32_0 = arith.constant 0 : i32
    %c0_i32_1 = arith.constant 0 : i32
    return %c0_i32, %c0_i32_0 : i32, i32
  }
  func.func @transform_4(%arg0: i32, %arg1: memref<128xi32, #tpu.memory_space<smem>>) -> (i32, i32, i32) {
    %c0_i32 = arith.constant 0 : i32
    %c0_i32_0 = arith.constant 0 : i32
    %c0_i32_1 = arith.constant 0 : i32
    return %arg0, %c0_i32, %c0_i32_0 : i32, i32, i32
  }
}

</mosaic_0001>

<sc_bundles>
// kernel: sparse-core-data-format-call.cloned.1.call-start
scs
called_computation_lowered:
.L_overlay_start_0:
0x0: {  	s2 =	sld [smem:$0x3FD9]  }
0x1: {  	s3 =	sld [smem:$0x3FFE];
	_ =	sdelay $0x1  }
0x2: {  	s1 =	srdreg.scid  }
0x3: {  	s0 =	sand.u32 $0x1, s1  }
0x4: {  	s15 =	sshll.u32 s0, $0xA;
	s2 =	sadd.s32 s3, s2  }
0x5: {  	s2 =	sadd.s32 s2, s15  }
0x6: {  	[smem:$0x3FC3] =	sst s2  }
0x7: {  	_ = 	snop  }
0x8: {  	s2 =	sld [smem:$0x3FD0];
	_ =	sdelay $0x2  }
0x9: {  	s16 =	simm.s32 $0xA;
	s4 =	simm.s32 $0x10  }
0xa: {  	[smem:s4], [sflag:s16] =	dma.local [hbm:s2], $0x1  }
0xb: {  	_ =	swait.eq [sflag:s16], $0x1  }
0xc: {  	[sflag:s16] =	ssyncset.done $0x0  }
0xd: {  	[sflag:s16] =	ssyncadd.s32 $0xFFFFFFFF  }
0xe: {  	s17 =	sld [smem:$0x11];
	(tm) =	ssettm $0x1  }
0xf: {  	s18 =	sld [smem:$0x3FFB];
	_ =	sdelay $0x3  }
0x10: {  	_ =	strace s18  }
0x11: {  	s3 =	sld [smem:$0x3FFC];
	_ =	sdelay $0x3  }
0x12: {  	_ =	strace s3  }
0x13: {  	s3 =	sld [smem:$0x3FFD];
	_ =	sdelay $0x3  }
0x14: {  	_ =	strace s3  }
0x15: {  	_ =	strace $0x8FFFFFFF  }
0x16: {  	s19 =	sld [smem:$0x3FDB];
	_ =	sdelay $0x1  }
0x17: {  	s20 =	simm.s32 $_scs_section_size  }
0x18: {  	s5 =	simm.s32 $_size__tile_overlayer_lowered;
	s6 =	simm.s32 $_tile_overlayer_lowered  }
0x19: {  	s23 =	simm.s32 $0x1BFF;
	s22 =	sshll.u32 s6, $0x1;
	s3 =	sadd.s32 s20, s19  }
0x1a: {  	s7 =	simm.s32 $0x0;
	s21 =	sshll.u32 s5, $0x1;
	s5 =	sadd.s32 s22, s3  }
0x1b: {  	[timem:s7], [sflag:s23] =	dma.local [hbm:s5], s21  }
0x1c: {  	_ =	swait.ge [sflag:s23], s21  }
0x1d: {  	s4 =	ssub.s32 $0x0, s21;
	[sflag:s23] =	ssyncset.done $0x0  }
0x1e: {  	[sflag:s23] =	ssyncadd.s32 s4;
	_ =	sdelay $0x1  }
0x1f: {  	s24 =	simm.s32 $0x1B8B  }
0x20: {  	_ =	swait.ge [sflag:s24], $0x1  }
0x21: {  	[sflag:s24] =	ssyncset.done $0x0  }
0x22: {  	s26 =	simm.s32 $0x1B8E;
	s25 =	sld [smem:$0x3FFE];
	[sflag:s24] =	ssyncadd.s32 $0xFFFFFFFF  }
0x23: {  	s27 =	simm.s32 $execute0_lowered;
	[smem:$0x3FD2] =	sst s26  }
0x24: {  	s5 =	sshll.u32 s27, $0x1;
	_ =	strace $0x80000046;
	[dreg:$0x1] =	wrdreg $0xFFFFFFFF  }
0x25: {  	s28 =	simm.s32 $_size_execute0_lowered;
	s3 =	sadd.s32 s3, s5;
	[dreg:$0x0] =	wrdreg $0x0  }
0x26: {  	s5 =	sshll.u32 s28, $0x1;
	[dreg:$0x2] =	wrdreg s3  }
0x27: {  	[dreg:$0x3] =	wrdreg s5  }
0x28: {  	[dreg:$0x4] =	wrdreg $0xC0  }
0x29: {  	_ =	task [dreg:s7], $0x5FFFF  }
0x2a: {  	[dreg:$0x1] =	wrdreg $0xFFFFFFFF  }
0x2b: {  	[dreg:$0x0] =	wrdreg $0x60  }
0x2c: {  	[dreg:$0x2] =	wrdreg s25  }
0x2d: {  	[dreg:$0x3] =	wrdreg s17  }
0x2e: {  	[dreg:$0x4] =	wrdreg $0x9  }
0x2f: {  	_ =	task.clear_ibuf [dreg:s7], $0x5FFFF;
	_ =	strace $0x90000046  }
0x30: {  	s29 =	simm.s32 $0x9;
	_ =	strace $0x80000048  }
0x31: {  	_ =	swait.ge [sflag:s29], $0x1  }
0x32: {  	[sflag:s29] =	ssyncadd.s32 $0xFFFFFFFF  }
0x33: {  	_ =	strace $0x90000048  }
0x34: {  	_ =	sfence  }
0x35: {  	s30 =	sld [smem:$0x0];
	_ =	sdelay $0x2  }
0x36: {  	s31 =	sshll.u32 s1, $0xD;
	s1 =	sshrl.u32 s1, $0x2  }
0x37: {  	s3 =	sand.u32 $0x4000, s31;
	s1 =	sadd.s32 s1, s30  }
0x38: {  	s0 =	sor.u32 s3, s0;
	s1 =	sshll.u32 s1, $0x11  }
0x39: {  	s0 =	sor.u32 s1, s0  }
0x3a: {  	s0 =	sadd.s32 $0x8F2B, s0  }
0x3b: {  	[sflag:s0] =	ssyncadd.remote.s32 $0x1  }
0x3c: {  	_ =	sfence.sel $0xFFFF  }
0x3d: {  	[dreg:$0x0] =	wrdreg $0xFFFFFFFF;
	(pc) =	sbr.abs _section_cstart, $3  }
0x3e: {  	[dreg:$0x1] =	wrdreg $0xFFFFFFFF  }
0x3f: {  	_ =	task.clear_ibuf [dreg:s7], $0x2FFFF;
	_ =	strace $0x9FFFFFFF  }
0x40: {  	(tm) =	ssettm $0x7FFFFFFF  }
0x41: {  	_ =	shalt  }
tec
execute0_lowered:
.L_overlay_start_1:
0x0: {  	(tag) =	ssettag $0x1  }
0x1: {  	s0 =	srdreg.scid  }
0x2: {  	s1 =	sshll.u32 s0, $0x4  }
0x3: {  	s6 =	rddreg [dreg:$0x0];
	s0 =	stileid.u32;
	s1 =	sand.u32 $0x10, s1  }
0x4: {  	s3 =	rddreg [dreg:$0x1];
	s1 =	sor.u32 s0, s1  }
0x5: {  	s5 =	simm.s32 $0x1;
	s31 =	simm.s32 $0x2;
	s2 =	sshll.u32 s1, $0x7  }
0x6: {  	s15 =	simm.s32 $0x0;
	s8 =	simm.s32 $0x8000;
	s4 =	ssub.s32 $0x1000, s2  }
0x7: {  	s13 =	simm.s32 $0x0;
	s14 =	simm.s32 $0x0;
	s30 =	sand.u32 $0xF80, s4  }
0x8: {  	s9 =	simm.s32 $0x0;
	s11 =	simm.s32 $0x0;
	p0 =	sne.s32 s30, $0x0  }
.Ltmp0:
0x9: {  	s7 =	sshrl.u32 s4, $0xC;
	s5 =	simm.s32 @!p0 $0x0;
	(pc) =	sbr.rel .LBB1_1-.Ltmp0, $4  }
0xa: {  	s12 =	simm.s32 $0x0;
	s1 =	rddreg [dreg:$0x2];
	s5 =	sadd.s32 s5, s7  }
0xb: {  	_ =	strace $0x80000047;
	s4 =	simm.s32 $0x1;
	s5 =	smul.u32 $0x30, s5  }
0xc: {  	s6 =	sadd.s32 $0x1600, s6;
	s10 =	smov.u32 s2;
	[sflag:s4] =	ssyncpa.u1 $0x0  }
0xd: {  	[sflag:s31] =	ssyncpa.u1 $0x0;
	p0 =	por $0x0, $0x0;
	s7 =	sor.u32 $0x1, s5  }
.LBB1_4:
0xe: {  	v5 =	vld [tilespmem:s18+$0xFFFFFFD0]  }
0xf: {  	[tilespmem:s19+$0x2040 ss:$0x81] =	vst.msk $0xffff, v1;
	v58 =	vld [tilespmem:s18+$0xFFFFFFE0]  }
0x10: {  	[tilespmem:s19+$0x2850 ss:$0x81] =	vst.msk $0xffff, v2;
	v59 =	vld [tilespmem:s18+$0xFFFFFFF0]  }
0x11: {  	s20 =	sshra.s32 s20, $0x2;
	[tilespmem:s19+$0x3060 ss:$0x81] =	vst.msk $0xffff, v3;
	v60 =	vld [tilespmem:s18+$0x0]  }
0x12: {  	[tilespmem:s19+$0x0 ss:$0x81] =	vst.msk $0xffff, v0;
	v61 =	vld [tilespmem:s18+$0x10];
	s17 =	sadd.s32 s20, s17  }
0x13: {  	s26 =	sshll.u32 s15, $0xC;
	v62 =	vld [tilespmem:s18+$0x20];
	[tilespmem:s17+$0x3870 ss:$0x81] =	vst.msk $0xffff, v4  }
0x14: {  	s27 =	sand.u32 $0x78, s13;
	s21 =	sshll.u32 s13, $0x3;
	v63 =	vld [tilespmem:s18+$0xFFFFFFC0];
	s29 =	sshll.u32 s15, $0x7;
	[tilespmem:s17+$0x810 ss:$0x81] =	vst.msk $0xffff, v5  }
0x15: {  	s14 =	sshll.u32 s14, $0x14;
	s19 =	sand.u32 $0x7F8000, s26;
	s28 =	sand.u32 $0x7FFC00, s21;
	[tilespmem:s17+$0x1020 ss:$0x81] =	vst.msk $0xffff, v58  }
0x16: {  	s31 =	sand.u32 $0x7, s13;
	s21 =	sand.u32 $0xC00, s21;
	s18 =	sadd.s32 s28, s19;
	[tilespmem:s17+$0x1830 ss:$0x81] =	vst.msk $0xffff, v59  }
0x17: {  	s15 =	sand.u32 $0x380, s29;
	s30 =	sor.u32 s27, s21;
	s18 =	sshrl.u32 s18, $0x3;
	[tilespmem:s17+$0x2040 ss:$0x81] =	vst.msk $0xffff, v60  }
0x18: {  	s14 =	sadd.s32 s3, s14;
	s15 =	sor.u32 s15, s30;
	s18 =	sand.u32 $0xFFE00, s18;
	[tilespmem:s17+$0x2850 ss:$0x81] =	vst.msk $0xffff, v61  }
0x19: {  	s13 =	sshll.u32 s31, $0x12;
	s15 =	sshrl.u32 s15, $0x3;
	[tilespmem:s17+$0x3060 ss:$0x81] =	vst.msk $0xffff, v62;
	s14 =	sadd.s32 s18, s14  }
0x1a: {  	s13 =	sor.u32 $0x400, s13;
	[tilespmem:s17+$0x0 ss:$0x81] =	vst.msk $0xffff, v63;
	s14 =	sadd.s32 s15, s14  }
0x1b: {  	[hbm4b:s14+s13] =	stream.strided.scatter [tilespmem:s16], [sflag:$0x2], $0x4000, s8, s13, $0x20;
	[tilespmem:$0x10100] =	vst v63  }
.LBB1_5:
0x1c: {  	s16 =	sadd.s32 $0x80, s9  }
0x1d: {  	s13 =	sadd.s32 $0x1000, s10;
	s17 =	smov.u32 s10;
	p2 =	sgt.s32 s16, $0x7FF  }
0x1e: {  	s17 =	smov.u32 @p2 s13  }
0x1f: {  	s13 =	simm.s32 $0x1;
	p3 =	sgt.s32 s17, $0xFFF  }
0x20: {  	s13 =	simm.s32 @!p3 $0x0  }
0x21: {  	s19 =	sadd.s32 s13, s11  }
0x22: {  	s16 =	simm.s32 @p2 $0x0;
	p2 =	sgt.s32 s19, $0x2  }
0x23: {  	p1 =	slt.u32 s12, $0x2;
	s19 =	simm.s32 @p2 $0x0;
	p2 =	sne.s32 s12, s7  }
.Ltmp1:
0x24: {  	s18 =	simm.s32 @!p1 $0x2;
	(pc) =	sbr.rel @!p2 .LBB1_6-.Ltmp1, $4  }
0x25: {  	s15 =	smov.u32 s9;
	s14 =	smov.u32 s11;
	_ =	swait.ge @!p1 [sflag:s18], $0x4000  }
0x26: {  	p0 =	por !p0, !p0;
	[sflag:s18] =	ssyncset.done @!p1 $0x0;
	s9 =	smov.u32 s16  }
0x27: {  	s17 =	smov.u32 @p3 s2;
	[sflag:s18] =	ssyncadd.s32 @!p1 $0xFFFFC000;
	s13 =	smov.u32 s10  }
0x28: {  	s10 =	smov.u32 s17;
	s12 =	sadd.s32 $0x1, s12;
	s11 =	smov.u32 s19  }
.LBB1_1:
0x29: {  	p1 =	sge.u32 s12, s5;
	s31 =	sadd.s32 $0xFFFFFFFF, s12  }
0x2a: {  	s16 =	sxor.u32 @!p1 $0xFFFFFFFF, s12;
	s17 =	sand.u32 @!p1 $0x78, s9;
	s18 =	sshll.u32 @!p1 s10, $0xB  }
0x2b: {  	s19 =	sshll.u32 @!p1 s10, $0x7;
	s20 =	sshll.u32 @!p1 s9, $0x3;
	s16 =	sshll.u32 @!p1 s16, $0xE  }
0x2c: {  	s18 =	sand.u32 @!p1 $0x7FC000, s18;
	s19 =	sand.u32 @!p1 $0x380, s19;
	s16 =	sand.u32 @!p1 $0x4000, s16  }
0x2d: {  	s18 =	sadd.s32 @!p1 s18, s20;
	s20 =	sand.u32 @!p1 $0x400, s20;
	s17 =	sor.u32 @!p1 s19, s17  }
0x2e: {  	s19 =	sshll.u32 @!p1 s11, $0x14;
	s17 =	sor.u32 @!p1 s20, s17;
	s18 =	sshrl.u32 @!p1 s18, $0x3  }
0x2f: {  	s19 =	sadd.s32 @!p1 s6, s19;
	s20 =	sand.u32 @!p1 $0x7, s9;
	s18 =	sand.u32 @!p1 $0xFFF00, s18  }
0x30: {  	s17 =	sshrl.u32 @!p1 s17, $0x3;
	s18 =	sadd.s32 @!p1 s18, s19;
	s19 =	sshll.u32 @!p1 s20, $0x12  }
0x31: {  	s17 =	sadd.s32 @!p1 s17, s18;
	s18 =	sor.u32 @!p1 $0x400, s19;
	s19 =	simm.s32 @!p1 $0x4000  }
0x32: {  	[tilespmem:s16], [sflag:$0x1] =	stream.strided.gather @!p1 [hbm4b:s17+s18], $0x4000, s19, s18, $0x38;
	[tilespmem:$0x10100] =	vst v63  }
0x33: {  	p1 =	sge.u32 s31, s5  }
.Ltmp2:
0x34: {  	_ = 	snop;
	(pc) =	sbr.rel @p1 .LBB1_5-.Ltmp2, $1  }
0x35: {  	_ =	sdelay $0x3  }
0x36: {  	s16 =	simm.s32 $0x1  }
0x37: {  	_ =	swait.ge [sflag:s4], $0x4000;
	s16 =	simm.s32 @!p0 $0x0  }
0x38: {  	[sflag:s4] =	ssyncset.done $0x0;
	s17 =	sshll.u32 s16, $0xE  }
0x39: {  	[sflag:s4] =	ssyncadd.s32 $0xFFFFC000;
	s18 =	sor.u32 $0x40, s17  }
0x3a: {  	s16 =	smul.u32 $0x10200, s16;
	v0 =	vld [tilespmem:s18+$0x30]  }
0x3b: {  	v3 =	vld [tilespmem:s18+$0xFFFFFFD0]  }
0x3c: {  	s16 =	sshrl.u32 s16, $0x2;
	v4 =	vld [tilespmem:s18+$0xFFFFFFE0]  }
0x3d: {  	v5 =	vld [tilespmem:s18+$0xFFFFFFF0];
	s17 =	sor.u32 $0x8000, s16  }
0x3e: {  	s31 =	sand.u32 $0x1, s12;
	v1 =	vld [tilespmem:s18+$0x0];
	s19 =	sadd.s32 $0x0, s17  }
0x3f: {  	v2 =	vld [tilespmem:s18+$0x10];
	s16 =	smul.u32 $0x10200, s31;
	[tilespmem:s19+$0x3870 ss:$0x81] =	vst.msk $0xffff, v0  }
0x40: {  	[tilespmem:s19+$0x810 ss:$0x81] =	vst.msk $0xffff, v3;
	v3 =	vld [tilespmem:s18+$0x20]  }
0x41: {  	s16 =	sshrl.u32 s16, $0x2;
	v0 =	vld [tilespmem:s18+$0xFFFFFFC0];
	[tilespmem:s19+$0x1020 ss:$0x81] =	vst.msk $0xffff, v4;
	s18 =	sadd.s32 $0x80, s18  }
0x42: {  	s20 =	simm.s32 $0x4;
	s21 =	simm.s32 $0x8;
	s16 =	sor.u32 $0x8000, s16;
	[tilespmem:s19+$0x1830 ss:$0x81] =	vst.msk $0xffff, v5;
	v4 =	vld [tilespmem:s18+$0x30]  }
.LBB1_3:
0x43: {  	p1 =	sne.s32 s21, $0x1FC;
	v5 =	vld [tilespmem:s18+$0xFFFFFFD0];
	[tilespmem:s19+$0x2040 ss:$0x81] =	vst.msk $0xffff, v1  }
0x44: {  	v6 =	vld [tilespmem:s18+$0xFFFFFFE0];
	[tilespmem:s19+$0x2850 ss:$0x81] =	vst.msk $0xffff, v2  }
0x45: {  	s22 =	sshra.s32 s20, $0x2;
	s20 =	smov.u32 s21;
	v7 =	vld [tilespmem:s18+$0xFFFFFFF0];
	[tilespmem:s19+$0x3060 ss:$0x81] =	vst.msk $0xffff, v3  }
.Ltmp3:
0x46: {  	v1 =	vld [tilespmem:s18+$0x0];
	[tilespmem:s19+$0x0 ss:$0x81] =	vst.msk $0xffff, v0;
	s19 =	sadd.s32 s22, s17;
	(pc) =	sbr.rel @p1 .LBB1_3-.Ltmp3, $4  }
0x47: {  	v2 =	vld [tilespmem:s18+$0x10];
	[tilespmem:s19+$0x3870 ss:$0x81] =	vst.msk $0xffff, v4  }
0x48: {  	[tilespmem:s19+$0x810 ss:$0x81] =	vst.msk $0xffff, v5;
	v3 =	vld [tilespmem:s18+$0x20]  }
0x49: {  	v0 =	vld [tilespmem:s18+$0xFFFFFFC0];
	[tilespmem:s19+$0x1020 ss:$0x81] =	vst.msk $0xffff, v6;
	s18 =	sadd.s32 $0x80, s18  }
0x4a: {  	s21 =	sadd.s32 $0x4, s21;
	v4 =	vld [tilespmem:s18+$0x30];
	[tilespmem:s19+$0x1830 ss:$0x81] =	vst.msk $0xffff, v7  }
.Ltmp4:
0x4b: {  	_ = 	snop;
	(pc) =	sbr.rel .LBB1_4-.Ltmp4, $1  }
0x4c: {  	_ =	sdelay $0x3  }
.LBB1_6:
0x4d: {  	_ =	sfence.sel $0x180000  }
0x4e: {  	s2 =	simm.s32 $0x1;
	[bflag:$0x0] =	sbarrier.arrive $0xFFFF  }
0x4f: {  	s31 =	simm.s32 $0x2;
	[sflag:s2] =	ssyncpa.u1 $0x1  }
0x50: {  	[sflag:s31] =	ssyncpa.u1 $0x1  }
0x51: {  	p0 =	sne.s32 s0, $0x0;
	_ =	strace $0x90000047  }
0x52: {  	s0 =	sadd.s32 @!p0 $0x100000, s1;
	[bflag:$0x2] =	sbarrier.arrive $0xFFFF  }
0x53: {  	[sflag:s0] =	ssyncadd.tile.s32 @!p0 $0x1;
	_ =	shalt  }
.Lfunc_end1:
_tile_overlayer_lowered:
.L_overlay_start_2:
0x54: {  	(tag) =	ssettag $0x2  }
0x55: {  	s0 =	rddreg [dreg:$0x0];
	s2 =	stileid.u32  }
0x56: {  	s1 =	rddreg [dreg:$0x1];
	p0 =	sne.s32 s2, $0x0  }
0x57: {  	s3 =	rddreg [dreg:$0x2];
	[bflag:$0x3] =	sbarrier.arrive $0xFFFF;
	s2 =	simm.s32 @!p0 $0x1C01  }
0x58: {  	[timem:s3], [sflag:s2] =	dma.local @!p0 [hbm:s0], s1  }
0x59: {  	s0 =	simm.s32 @!p0 $0x1  }
0x5a: {  	_ =	swait.ge @!p0 [sflag:s0], s1  }
0x5b: {  	s1 =	ssub.s32 @!p0 $0x0, s1;
	[sflag:s0] =	ssyncset.done @!p0 $0x0  }
0x5c: {  	[sflag:s0] =	ssyncadd.s32 @!p0 s1  }
0x5d: {  	[bflag:$0x3] =	sbarrier.arrive $0xFFFF  }
0x5e: {  	_ =	shalt  }

</sc_bundles>
